<compile_context>
chip_gen: v7x
topology: tpu7x:2x2x1
jax: 0.10.2.dev20260603
libtpu: 0.0.44.dev20260713+nightly
codegen_flags: <defaults>
</compile_context>

<pallas_src>
import functools

import jax
import jax.numpy as jnp
from jax import lax
from jax.experimental import pallas as pl
from jax.experimental.pallas import tpu as pltpu
from jax.experimental.pallas import tpu_sc as plsc

NUM_NODES = 100000
D = 128
HIDDEN = 64
OUT = 10
B = 16384


_INFO = plsc.get_sparse_core_info()
_NC = _INFO.num_cores
_NS = _INFO.num_subcores
_NW = _NC * _NS
_BPW = B // _NW
_CHUNK = 128
_NCHUNK = _BPW // _CHUNK

_sc_mesh = plsc.VectorSubcoreMesh(core_axis_name="c", subcore_axis_name="s")


@functools.partial(
    pl.kernel,
    mesh=_sc_mesh,
    out_type=jax.ShapeDtypeStruct((B, D), jnp.float32),
    scratch_types=[
        pltpu.VMEM((_BPW,), jnp.int32),
        pltpu.VMEM((_BPW, D), jnp.float32),
        pltpu.SemaphoreType.DMA,
    ],
)
def _sc_gather(table_hbm, idx_hbm, out_hbm, idx_v, rows_v, gsem):
    wid = lax.axis_index("s") * _NC + lax.axis_index("c")
    base = wid * _BPW
    pltpu.sync_copy(idx_hbm.at[pl.ds(base, _BPW)], idx_v)
    pltpu.async_copy(table_hbm.at[idx_v], rows_v, gsem).wait()
    pltpu.sync_copy(rows_v, out_hbm.at[pl.ds(base, _BPW)])



_TILE = 8192
_T = B // _TILE
_HA = HIDDEN + 16


def _mlp_body(h_ref, w1_ref, b1t_ref, gammat_ref, betat_ref, w2_ref, b2t_ref,
              out_ref, xt_scr, g_scr):
    i = pl.program_id(0)

    @pl.when(i == 0)
    def _init():
        g_scr[...] = jnp.zeros_like(g_scr)
        xt_scr[HIDDEN:_HA, :] = jnp.ones((_HA - HIDDEN, B), jnp.bfloat16)

    @pl.when(i < _T)
    def _phase_a():
        xt = lax.dot_general(w1_ref[...], h_ref[...].astype(jnp.bfloat16),
                             (((0,), (1,)), ((), ())),
                             preferred_element_type=jnp.float32)
        xt = jnp.maximum(xt, 0.0).astype(jnp.bfloat16)
        xt_scr[0:HIDDEN, pl.ds(i * _TILE, _TILE)] = xt
        xta = xt_scr[:, pl.ds(i * _TILE, _TILE)]
        g_scr[...] += lax.dot_general(xta, xta, (((1,), (1,)), ((), ())),
                                      preferred_element_type=jnp.float32)

    @pl.when(i >= _T)
    def _phase_b():
        j = i - _T
        g = g_scr[...]
        s_t = g[0:HIDDEN, HIDDEN:HIDDEN + 1]
        eye = (lax.broadcasted_iota(jnp.int32, (HIDDEN, HIDDEN), 0) ==
               lax.broadcasted_iota(jnp.int32, (HIDDEN, HIDDEN), 1))
        q_t = jnp.sum(jnp.where(eye, g[0:HIDDEN, 0:HIDDEN], 0.0),
                      axis=1, keepdims=True)
        mean_t = s_t * (1.0 / B)
        var_t = q_t * (1.0 / B) - mean_t * mean_t
        scale_t = gammat_ref[...] * lax.rsqrt(var_t + 1e-5)
        shift_t = betat_ref[...] - mean_t * scale_t
        w2p = (w2_ref[...] * scale_t).astype(jnp.bfloat16)
        c = lax.dot_general(w2_ref[...], shift_t, (((0,), (0,)), ((), ())),
                            preferred_element_type=jnp.float32) + b2t_ref[...]
        xt = xt_scr[0:HIDDEN, pl.ds(j * _TILE, _TILE)]
        out_t = lax.dot_general(w2p, xt, (((0,), (0,)), ((), ())),
                                preferred_element_type=jnp.float32)
        out_ref[...] = out_t + c


_mlp = pl.pallas_call(
    _mlp_body,
    grid=(2 * _T,),
    in_specs=[
        pl.BlockSpec((_TILE, D), lambda i: (jnp.minimum(i, _T - 1), 0)),
        pl.BlockSpec((D, HIDDEN), lambda i: (0, 0)),
        pl.BlockSpec((HIDDEN, 1), lambda i: (0, 0)),
        pl.BlockSpec((HIDDEN, 1), lambda i: (0, 0)),
        pl.BlockSpec((HIDDEN, 1), lambda i: (0, 0)),
        pl.BlockSpec((HIDDEN, OUT), lambda i: (0, 0)),
        pl.BlockSpec((OUT, 1), lambda i: (0, 0)),
    ],
    out_specs=pl.BlockSpec((OUT, _TILE), lambda i: (0, jnp.maximum(i - _T, 0))),
    out_shape=jax.ShapeDtypeStruct((OUT, B), jnp.float32),
    scratch_shapes=[
        pltpu.VMEM((_HA, B), jnp.bfloat16),
        pltpu.VMEM((_HA, _HA), jnp.float32),
    ],
    compiler_params=pltpu.CompilerParams(
        dimension_semantics=("arbitrary",),
    ),
)


def kernel(n_id, memory, W1, b1, gamma, beta, W2, b2):
    h = _sc_gather(memory, n_id.astype(jnp.int32))
    out_t = _mlp(h, W1.astype(jnp.bfloat16), b1.reshape(HIDDEN, 1), gamma.reshape(HIDDEN, 1),
                 beta.reshape(HIDDEN, 1), W2, b2.reshape(OUT, 1))
    return out_t.T

# --- scband reference (transcript-rebuilt; emitter-appended) ---
"""Pipeline reference for scband-tgnrecommender-46892452938273 (READ-ONLY COPY).

The authoritative reference and input builder live on the scoring server;
editing this copy changes nothing except your own understanding.
"""

import jax, jax.numpy as jnp
import numpy as np

NUM_NODES = 100000
MEMORY_DIM = 128
HIDDEN = 64
OUT_CHANNELS = 10
BATCH = 16384


def setup_inputs(seed: int = 0) -> dict:
    key = jax.random.key(seed)
    ks = jax.random.split(key, 8)
    n_id = jax.random.randint(ks[0], (BATCH,), 0, NUM_NODES)
    memory = jax.random.normal(ks[1], (NUM_NODES, MEMORY_DIM), dtype=jnp.float32)
    W1 = jax.random.normal(ks[2], (MEMORY_DIM, HIDDEN), dtype=jnp.float32) * (1.0 / np.sqrt(MEMORY_DIM))
    b1 = jnp.zeros((HIDDEN,), dtype=jnp.float32)
    gamma = jnp.ones((HIDDEN,), dtype=jnp.float32)
    beta = jnp.zeros((HIDDEN,), dtype=jnp.float32)
    W2 = jax.random.normal(ks[3], (HIDDEN, OUT_CHANNELS), dtype=jnp.float32) * (1.0 / np.sqrt(HIDDEN))
    b2 = jnp.zeros((OUT_CHANNELS,), dtype=jnp.float32)
    return {"n_id": n_id, "memory": memory, "W1": W1, "b1": b1, "gamma": gamma, "beta": beta, "W2": W2, "b2": b2}


def reference(n_id, memory, W1, b1, gamma, beta, W2, b2):
    # TGNMemory lookup: gather memory state for the requested node ids
    h = jnp.take(memory, n_id, axis=0)
    # classifier: Linear(memory_dim, 64) -> ReLU -> BatchNorm1d(64) -> Linear(64, out_channels)
    x = h @ W1 + b1
    x = jax.nn.relu(x)
    mean = jnp.mean(x, axis=0)
    var = jnp.var(x, axis=0)
    x = (x - mean) / jnp.sqrt(var + 1e-5) * gamma + beta
    out = x @ W2 + b2
    return out

if __name__ == "__main__":
    import jax
    _d = setup_inputs()
    print(jax.jit(kernel)(*tuple(_d.values())))

</pallas_src>

<mosaic_0001>
#map = affine_map<(d0, d1) -> (0, 0)>
#map1 = affine_map<(d0, d1) -> (0)>
module attributes {stable_mosaic.version = 14 : i64} {
  func.func @_sc_gather(%arg0: i32, %arg1: i32, %arg2: memref<100000x128xf32, #tpu.memory_space<hbm>>, %arg3: memref<16384xi32, #tpu.memory_space<hbm>>, %arg4: memref<16384x128xf32, #tpu.memory_space<hbm>>, %arg5: memref<512xi32, #tpu.memory_space<vmem>>, %arg6: memref<512x128xf32, #tpu.memory_space<vmem>>, %arg7: memref<!tpu.dma_semaphore, #tpu.memory_space<semaphore_mem>>) attributes {dimension_semantics = [#tpu.dimension_semantics<core_parallel>, #tpu.dimension_semantics<subcore_parallel>], iteration_bounds = array<i64: 2, 16>, scalar_prefetch = 0 : i64, scratch_operands = 3 : i64, tpu.core_type = #tpu.core_type<sc_vector_subcore>, window_params = [{transform_indices = #map}, {transform_indices = #map1}, {transform_indices = #map}]} {
    %mul3A = arith.constant 2 : i32
    %mul3A_0 = arith.muli %arg1, %mul3A : i32
    %add3A = arith.addi %mul3A_0, %arg0 : i32
    %mul3A_1 = arith.constant 512 : i32
    %mul3A_2 = arith.muli %add3A, %mul3A_1 : i32
    "tpu.region"() ({
      %run_scoped3A = tpu.sem_alloc : memref<!tpu.dma_semaphore, #tpu.memory_space<semaphore_mem>>
      %dma_start3A_7 = tpu.memref_slice %arg3[%mul3A_2] : memref<16384xi32, #tpu.memory_space<hbm>> -> memref<512xi32, #tpu.memory_space<hbm>>
      %dma_start3A_8 = tpu.memref_slice %arg3[%mul3A_2] : memref<16384xi32, #tpu.memory_space<hbm>> -> memref<512xi32, #tpu.memory_space<hbm>>
      tpu.enqueue_dma source(%dma_start3A_8 : memref<512xi32, #tpu.memory_space<hbm>>) target(%arg5 : memref<512xi32, #tpu.memory_space<vmem>>) target_semaphore(%run_scoped3A : memref<!tpu.dma_semaphore, #tpu.memory_space<semaphore_mem>>)
      %dma_wait3A_9 = tpu.memref_slice %arg3[%mul3A_2] : memref<16384xi32, #tpu.memory_space<hbm>> -> memref<512xi32, #tpu.memory_space<hbm>>
      %dma_wait3A_10 = tpu.memref_slice %arg3[%mul3A_2] : memref<16384xi32, #tpu.memory_space<hbm>> -> memref<512xi32, #tpu.memory_space<hbm>>
      tpu.wait_dma2 semaphore(%run_scoped3A : memref<!tpu.dma_semaphore, #tpu.memory_space<semaphore_mem>>) src(%dma_wait3A_10 : memref<512xi32, #tpu.memory_space<hbm>>) dst(%arg5 : memref<512xi32, #tpu.memory_space<vmem>>)
      tpu.yield
    }) : () -> ()
    %dma_start3A = arith.constant 0 : i32
    %dma_start3A_3 = arith.constant 0 : i32
    %dma_start3A_4 = tpu.memref_slice %arg2[%dma_start3A, %dma_start3A_3] : memref<100000x128xf32, #tpu.memory_space<hbm>> -> memref<100000x128xf32, #tpu.memory_space<hbm>>
    tpu.enqueue_indirect_dma source(%dma_start3A_4 : memref<100000x128xf32, #tpu.memory_space<hbm>>) target(%arg6 : memref<512x128xf32, #tpu.memory_space<vmem>>) offsets(%arg5 : memref<512xi32, #tpu.memory_space<vmem>>) semaphore(%arg7 : memref<!tpu.dma_semaphore, #tpu.memory_space<semaphore_mem>>)
    %dma_wait3A = arith.constant 0 : i32
    %dma_wait3A_5 = arith.constant 0 : i32
    %dma_wait3A_6 = tpu.memref_slice %arg2[%dma_wait3A, %dma_wait3A_5] : memref<100000x128xf32, #tpu.memory_space<hbm>> -> memref<100000x128xf32, #tpu.memory_space<hbm>>
    tpu.wait_indirect_dma semaphore(%arg7 : memref<!tpu.dma_semaphore, #tpu.memory_space<semaphore_mem>>) src(%dma_wait3A_6 : memref<100000x128xf32, #tpu.memory_space<hbm>>) dst(%arg6 : memref<512x128xf32, #tpu.memory_space<vmem>>)
    "tpu.region"() ({
      %run_scoped3A = tpu.sem_alloc : memref<!tpu.dma_semaphore, #tpu.memory_space<semaphore_mem>>
      %dma_start3A_7 = arith.constant 0 : i32
      %dma_start3A_8 = tpu.memref_slice %arg4[%mul3A_2, %dma_start3A_7] : memref<16384x128xf32, #tpu.memory_space<hbm>> -> memref<512x128xf32, #tpu.memory_space<hbm>>
      %dma_start3A_9 = arith.constant 0 : i32
      %dma_start3A_10 = tpu.memref_slice %arg4[%mul3A_2, %dma_start3A_9] : memref<16384x128xf32, #tpu.memory_space<hbm>> -> memref<512x128xf32, #tpu.memory_space<hbm>>
      tpu.enqueue_dma source(%arg6 : memref<512x128xf32, #tpu.memory_space<vmem>>) target(%dma_start3A_10 : memref<512x128xf32, #tpu.memory_space<hbm>>) target_semaphore(%run_scoped3A : memref<!tpu.dma_semaphore, #tpu.memory_space<semaphore_mem>>)
      %dma_wait3A_11 = arith.constant 0 : i32
      %dma_wait3A_12 = tpu.memref_slice %arg4[%mul3A_2, %dma_wait3A_11] : memref<16384x128xf32, #tpu.memory_space<hbm>> -> memref<512x128xf32, #tpu.memory_space<hbm>>
      %dma_wait3A_13 = arith.constant 0 : i32
      %dma_wait3A_14 = tpu.memref_slice %arg4[%mul3A_2, %dma_wait3A_13] : memref<16384x128xf32, #tpu.memory_space<hbm>> -> memref<512x128xf32, #tpu.memory_space<hbm>>
      tpu.wait_dma2 semaphore(%run_scoped3A : memref<!tpu.dma_semaphore, #tpu.memory_space<semaphore_mem>>) src(%arg6 : memref<512x128xf32, #tpu.memory_space<vmem>>) dst(%dma_wait3A_14 : memref<512x128xf32, #tpu.memory_space<hbm>>)
      tpu.yield
    }) : () -> ()
    return
  }
}

module attributes {stable_mosaic.version = 14 : i64} {
  func.func @_mlp_body(%arg0: i32, %arg1: memref<8192x128xf32, #tpu.memory_space<vmem>>, %arg2: memref<128x64xbf16, #tpu.memory_space<vmem>>, %arg3: memref<64x1xf32, #tpu.memory_space<vmem>>, %arg4: memref<64x1xf32, #tpu.memory_space<vmem>>, %arg5: memref<64x1xf32, #tpu.memory_space<vmem>>, %arg6: memref<64x10xf32, #tpu.memory_space<vmem>>, %arg7: memref<10x1xf32, #tpu.memory_space<vmem>>, %arg8: memref<10x8192xf32, #tpu.memory_space<vmem>>, %arg9: memref<80x16384xbf16, #tpu.memory_space<vmem>>, %arg10: memref<80x80xf32, #tpu.memory_space<vmem>>) attributes {dimension_semantics = [#tpu.dimension_semantics<arbitrary>], iteration_bounds = array<i64: 4>, scalar_prefetch = 0 : i64, scratch_operands = 2 : i64, tpu.core_type = #tpu.core_type<tc>, window_params = [{transform_indices = @transform_0, window_bounds = array<i64: 8192, 128>}, {pipeline_mode = #tpu.pipeline_mode<synchronous>, transform_indices = @transform_1, window_bounds = array<i64: 128, 64>}, {pipeline_mode = #tpu.pipeline_mode<synchronous>, transform_indices = @transform_2, window_bounds = array<i64: 64, 1>}, {pipeline_mode = #tpu.pipeline_mode<synchronous>, transform_indices = @transform_3, window_bounds = array<i64: 64, 1>}, {pipeline_mode = #tpu.pipeline_mode<synchronous>, transform_indices = @transform_4, window_bounds = array<i64: 64, 1>}, {pipeline_mode = #tpu.pipeline_mode<synchronous>, transform_indices = @transform_5, window_bounds = array<i64: 64, 10>}, {pipeline_mode = #tpu.pipeline_mode<synchronous>, transform_indices = @transform_6, window_bounds = array<i64: 10, 1>}, {transform_indices = @transform_7, window_bounds = array<i64: 10, 8192>}]} {
    %eq3A = arith.constant 0 : i32
    %eq3A_0 = arith.cmpi eq, %arg0, %eq3A : i32
    %convert_element_type3A = arith.extui %eq3A_0 : i1 to i32
    %cond3A = arith.constant 0 : i32
    %cond3A_1 = arith.cmpi ne, %convert_element_type3A, %cond3A : i32
    scf.if %cond3A_1 {
      %broadcast_in_dim3A = arith.constant 0.000000e+00 : f32
      %broadcast_in_dim3A_10 = vector.broadcast %broadcast_in_dim3A : f32 to vector<80x80xf32>
      %swap3A = arith.constant 0 : index
      %swap3A_11 = arith.constant 0 : index
      %swap3A_12 = vector.load %arg10[%swap3A, %swap3A_11] : memref<80x80xf32, #tpu.memory_space<vmem>>, vector<80x80xf32>
      tpu.vector_store %arg10[%swap3A, %swap3A_11], %broadcast_in_dim3A_10 {strides = array<i32>} : memref<80x80xf32, #tpu.memory_space<vmem>>, vector<80x80xf32>,
      %broadcast_in_dim3A_13 = arith.constant 1.000000e+00 : bf16
      %broadcast_in_dim3A_14 = vector.broadcast %broadcast_in_dim3A_13 : bf16 to vector<16x16384xbf16>
      %swap3A_15 = arith.constant 64 : index
      %swap3A_16 = arith.constant 0 : index
      %swap3A_17 = vector.load %arg9[%swap3A_15, %swap3A_16] : memref<80x16384xbf16, #tpu.memory_space<vmem>>, vector<16x16384xbf16>
      tpu.vector_store %arg9[%swap3A_15, %swap3A_16], %broadcast_in_dim3A_14 {strides = array<i32>} : memref<80x16384xbf16, #tpu.memory_space<vmem>>, vector<16x16384xbf16>,
    } else {
    }
    %lt3A = arith.constant 2 : i32
    %lt3A_2 = arith.cmpi slt, %arg0, %lt3A : i32
    %convert_element_type3A_3 = arith.extui %lt3A_2 : i1 to i32
    %cond3A_4 = arith.constant 0 : i32
    %cond3A_5 = arith.cmpi ne, %convert_element_type3A_3, %cond3A_4 : i32
    scf.if %cond3A_5 {
      %get3A = arith.constant 0 : index
      %get3A_10 = arith.constant 0 : index
      %get3A_11 = vector.load %arg2[%get3A, %get3A_10] : memref<128x64xbf16, #tpu.memory_space<vmem>>, vector<128x64xbf16>
      %get3A_12 = arith.constant 0 : index
      %get3A_13 = arith.constant 0 : index
      %get3A_14 = vector.load %arg1[%get3A_12, %get3A_13] : memref<8192x128xf32, #tpu.memory_space<vmem>>, vector<8192x128xf32>
      %convert_element_type3A_15 = arith.truncf %get3A_14 : vector<8192x128xf32> to vector<8192x128xbf16>
      %dot_general3A = arith.constant dense<0.000000e+00> : vector<64x8192xf32>
      %dot_general3A_16 = tpu.matmul %get3A_11, %convert_element_type3A_15, %dot_general3A {dimension_numbers = #tpu.dot_dimension_numbers<[0], [1], [1], [0], [0, 1, 1, 0], [], []>, transpose_lhs_hint = false} : vector<128x64xbf16>, vector<8192x128xbf16>, vector<64x8192xf32> -> vector<64x8192xf32>
      %max3A = arith.constant 0.000000e+00 : f32
      %max3A_17 = vector.broadcast %max3A : f32 to vector<64x8192xf32>
      %max3A_18 = arith.maximumf %dot_general3A_16, %max3A_17 : vector<64x8192xf32>
      %convert_element_type3A_19 = arith.truncf %max3A_18 : vector<64x8192xf32> to vector<64x8192xbf16>
      %mul3A = arith.constant 8192 : i32
      %mul3A_20 = arith.muli %arg0, %mul3A : i32
      %swap3A = arith.constant 0 : index
      %swap3A_21 = arith.index_cast %mul3A_20 : i32 to index
      %swap3A_22 = vector.load %arg9[%swap3A, %swap3A_21] : memref<80x16384xbf16, #tpu.memory_space<vmem>>, vector<64x8192xbf16>
      tpu.vector_store %arg9[%swap3A, %swap3A_21], %convert_element_type3A_19 {strides = array<i32>} : memref<80x16384xbf16, #tpu.memory_space<vmem>>, vector<64x8192xbf16>,
      %mul3A_23 = arith.constant 8192 : i32
      %mul3A_24 = arith.muli %arg0, %mul3A_23 : i32
      %get3A_25 = arith.constant 0 : index
      %get3A_26 = arith.index_cast %mul3A_24 : i32 to index
      %get3A_27 = vector.load %arg9[%get3A_25, %get3A_26] : memref<80x16384xbf16, #tpu.memory_space<vmem>>, vector<80x8192xbf16>
      %get3A_28 = arith.constant 0 : index
      %get3A_29 = arith.constant 0 : index
      %get3A_30 = vector.load %arg10[%get3A_28, %get3A_29] : memref<80x80xf32, #tpu.memory_space<vmem>>, vector<80x80xf32>
      %dot_general3A_31 = arith.constant dense<0.000000e+00> : vector<80x80xf32>
      %dot_general3A_32 = tpu.matmul %get3A_27, %get3A_27, %dot_general3A_31 {dimension_numbers = #tpu.dot_dimension_numbers<[1], [1], [0], [0], [0, 0, 1, 0], [], []>, transpose_lhs_hint = false} : vector<80x8192xbf16>, vector<80x8192xbf16>, vector<80x80xf32> -> vector<80x80xf32>
      %add3A = arith.addf %get3A_30, %dot_general3A_32 : vector<80x80xf32>
      %swap3A_33 = arith.constant 0 : index
      %swap3A_34 = arith.constant 0 : index
      %swap3A_35 = vector.load %arg10[%swap3A_33, %swap3A_34] : memref<80x80xf32, #tpu.memory_space<vmem>>, vector<80x80xf32>
      tpu.vector_store %arg10[%swap3A_33, %swap3A_34], %add3A {strides = array<i32>} : memref<80x80xf32, #tpu.memory_space<vmem>>, vector<80x80xf32>,
    } else {
    }
    %ge3A = arith.constant 2 : i32
    %ge3A_6 = arith.cmpi sge, %arg0, %ge3A : i32
    %convert_element_type3A_7 = arith.extui %ge3A_6 : i1 to i32
    %cond3A_8 = arith.constant 0 : i32
    %cond3A_9 = arith.cmpi ne, %convert_element_type3A_7, %cond3A_8 : i32
    scf.if %cond3A_9 {
      %sub3A = arith.constant 2 : i32
      %sub3A_10 = arith.subi %arg0, %sub3A : i32
      %get3A = arith.constant 0 : index
      %get3A_11 = arith.constant 0 : index
      %get3A_12 = vector.load %arg10[%get3A, %get3A_11] : memref<80x80xf32, #tpu.memory_space<vmem>>, vector<80x80xf32>
      %slice3A = vector.extract_strided_slice %get3A_12 {offsets = [0, 64], sizes = [64, 1], strides = [1, 1]} : vector<80x80xf32> to vector<64x1xf32>
      %iota3A = tpu.iota {dimensions = array<i32: 0>} : vector<64x64xi32>
      %iota3A_13 = tpu.iota {dimensions = array<i32: 1>} : vector<64x64xi32>
      %eq3A_14 = arith.cmpi eq, %iota3A, %iota3A_13 : vector<64x64xi32>
      %slice3A_15 = vector.extract_strided_slice %get3A_12 {offsets = [0, 0], sizes = [64, 64], strides = [1, 1]} : vector<80x80xf32> to vector<64x64xf32>
      %jit3A = arith.constant 0.000000e+00 : f32
      %broadcast_in_dim3A = vector.broadcast %jit3A : f32 to vector<64x64xf32>
      %select_n3A = arith.select %eq3A_14, %slice3A_15, %broadcast_in_dim3A : vector<64x64xi1>, vector<64x64xf32>
      %reduce_sum3A = arith.constant dense<0.000000e+00> : vector<64xf32>
      %reduce_sum3A_16 = vector.multi_reduction <add>, %select_n3A, %reduce_sum3A [1] : vector<64x64xf32> to vector<64xf32>
      %broadcast_in_dim3A_17 = vector.shape_cast %reduce_sum3A_16 : vector<64xf32> to vector<64x1xf32>
      %mul3A = arith.constant 6.10351563E-5 : f32
      %mul3A_18 = vector.broadcast %mul3A : f32 to vector<64x1xf32>
      %mul3A_19 = arith.mulf %slice3A, %mul3A_18 : vector<64x1xf32>
      %mul3A_20 = arith.constant 6.10351563E-5 : f32
      %mul3A_21 = vector.broadcast %mul3A_20 : f32 to vector<64x1xf32>
      %mul3A_22 = arith.mulf %broadcast_in_dim3A_17, %mul3A_21 : vector<64x1xf32>
      %mul3A_23 = arith.mulf %mul3A_19, %mul3A_19 : vector<64x1xf32>
      %sub3A_24 = arith.subf %mul3A_22, %mul3A_23 : vector<64x1xf32>
      %get3A_25 = arith.constant 0 : index
      %get3A_26 = arith.constant 0 : index
      %get3A_27 = vector.load %arg4[%get3A_25, %get3A_26] : memref<64x1xf32, #tpu.memory_space<vmem>>, vector<64x1xf32>
      %add3A = arith.constant 9.99999974E-6 : f32
      %add3A_28 = vector.broadcast %add3A : f32 to vector<64x1xf32>
      %add3A_29 = arith.addf %sub3A_24, %add3A_28 : vector<64x1xf32>
      %rsqrt3A = math.rsqrt %add3A_29 : vector<64x1xf32>
      %mul3A_30 = arith.mulf %get3A_27, %rsqrt3A : vector<64x1xf32>
      %get3A_31 = arith.constant 0 : index
      %get3A_32 = arith.constant 0 : index
      %get3A_33 = vector.load %arg5[%get3A_31, %get3A_32] : memref<64x1xf32, #tpu.memory_space<vmem>>, vector<64x1xf32>
      %mul3A_34 = arith.mulf %mul3A_19, %mul3A_30 : vector<64x1xf32>
      %sub3A_35 = arith.subf %get3A_33, %mul3A_34 : vector<64x1xf32>
      %get3A_36 = arith.constant 0 : index
      %get3A_37 = arith.constant 0 : index
      %get3A_38 = vector.load %arg6[%get3A_36, %get3A_37] : memref<64x10xf32, #tpu.memory_space<vmem>>, vector<64x10xf32>
      %mul3A_39 = vector.broadcast %mul3A_30 : vector<64x1xf32> to vector<64x10xf32>
      %mul3A_40 = arith.mulf %get3A_38, %mul3A_39 : vector<64x10xf32>
      %convert_element_type3A_41 = arith.truncf %mul3A_40 : vector<64x10xf32> to vector<64x10xbf16>
      %get3A_42 = arith.constant 0 : index
      %get3A_43 = arith.constant 0 : index
      %get3A_44 = vector.load %arg6[%get3A_42, %get3A_43] : memref<64x10xf32, #tpu.memory_space<vmem>>, vector<64x10xf32>
      %dot_general3A = arith.constant dense<0.000000e+00> : vector<10x1xf32>
      %dot_general3A_45 = tpu.matmul %get3A_44, %sub3A_35, %dot_general3A {dimension_numbers = #tpu.dot_dimension_numbers<[0], [0], [1], [1], [0, 1, 1, 1], [], []>, transpose_lhs_hint = false} : vector<64x10xf32>, vector<64x1xf32>, vector<10x1xf32> -> vector<10x1xf32>
      %get3A_46 = arith.constant 0 : index
      %get3A_47 = arith.constant 0 : index
      %get3A_48 = vector.load %arg7[%get3A_46, %get3A_47] : memref<10x1xf32, #tpu.memory_space<vmem>>, vector<10x1xf32>
      %add3A_49 = arith.addf %dot_general3A_45, %get3A_48 : vector<10x1xf32>
      %mul3A_50 = arith.constant 8192 : i32
      %mul3A_51 = arith.muli %sub3A_10, %mul3A_50 : i32
      %get3A_52 = arith.constant 0 : index
      %get3A_53 = arith.index_cast %mul3A_51 : i32 to index
      %get3A_54 = vector.load %arg9[%get3A_52, %get3A_53] : memref<80x16384xbf16, #tpu.memory_space<vmem>>, vector<64x8192xbf16>
      %dot_general3A_55 = arith.constant dense<0.000000e+00> : vector<10x8192xf32>
      %dot_general3A_56 = tpu.matmul %convert_element_type3A_41, %get3A_54, %dot_general3A_55 {dimension_numbers = #tpu.dot_dimension_numbers<[0], [0], [1], [1], [0, 1, 1, 1], [], []>, transpose_lhs_hint = false} : vector<64x10xbf16>, vector<64x8192xbf16>, vector<10x8192xf32> -> vector<10x8192xf32>
      %add3A_57 = vector.broadcast %add3A_49 : vector<10x1xf32> to vector<10x8192xf32>
      %add3A_58 = arith.addf %dot_general3A_56, %add3A_57 : vector<10x8192xf32>
      %swap3A = arith.constant 0 : index
      %swap3A_59 = arith.constant 0 : index
      %swap3A_60 = vector.load %arg8[%swap3A, %swap3A_59] : memref<10x8192xf32, #tpu.memory_space<vmem>>, vector<10x8192xf32>
      tpu.vector_store %arg8[%swap3A, %swap3A_59], %add3A_58 {strides = array<i32>} : memref<10x8192xf32, #tpu.memory_space<vmem>>, vector<10x8192xf32>,
    } else {
    }
    return
  }
  func.func @transform_0(%arg0: i32) -> (i32, i32) {
    %min3A = arith.constant 1 : i32
    %min3A_0 = arith.minsi %arg0, %min3A : i32
    %c0_i32 = arith.constant 0 : i32
    %c0_i32_1 = arith.constant 0 : i32
    return %min3A_0, %c0_i32 : i32, i32
  }
  func.func @transform_1(%arg0: i32) -> (i32, i32) {
    %c0_i32 = arith.constant 0 : i32
    %c0_i32_0 = arith.constant 0 : i32
    %c0_i32_1 = arith.constant 0 : i32
    return %c0_i32, %c0_i32_0 : i32, i32
  }
  func.func @transform_2(%arg0: i32) -> (i32, i32) {
    %c0_i32 = arith.constant 0 : i32
    %c0_i32_0 = arith.constant 0 : i32
    %c0_i32_1 = arith.constant 0 : i32
    return %c0_i32, %c0_i32_0 : i32, i32
  }
  func.func @transform_3(%arg0: i32) -> (i32, i32) {
    %c0_i32 = arith.constant 0 : i32
    %c0_i32_0 = arith.constant 0 : i32
    %c0_i32_1 = arith.constant 0 : i32
    return %c0_i32, %c0_i32_0 : i32, i32
  }
  func.func @transform_4(%arg0: i32) -> (i32, i32) {
    %c0_i32 = arith.constant 0 : i32
    %c0_i32_0 = arith.constant 0 : i32
    %c0_i32_1 = arith.constant 0 : i32
    return %c0_i32, %c0_i32_0 : i32, i32
  }
  func.func @transform_5(%arg0: i32) -> (i32, i32) {
    %c0_i32 = arith.constant 0 : i32
    %c0_i32_0 = arith.constant 0 : i32
    %c0_i32_1 = arith.constant 0 : i32
    return %c0_i32, %c0_i32_0 : i32, i32
  }
  func.func @transform_6(%arg0: i32) -> (i32, i32) {
    %c0_i32 = arith.constant 0 : i32
    %c0_i32_0 = arith.constant 0 : i32
    %c0_i32_1 = arith.constant 0 : i32
    return %c0_i32, %c0_i32_0 : i32, i32
  }
  func.func @transform_7(%arg0: i32) -> (i32, i32) {
    %sub3A = arith.constant 2 : i32
    %sub3A_0 = arith.subi %arg0, %sub3A : i32
    %max3A = arith.constant 0 : i32
    %max3A_1 = arith.maxsi %sub3A_0, %max3A : i32
    %c0_i32 = arith.constant 0 : i32
    %c0_i32_2 = arith.constant 0 : i32
    return %c0_i32, %max3A_1 : i32, i32
  }
}

</mosaic_0001>

<sc_bundles>
// kernel: kernel.4.cloned.1.call-start
scs
__scs_entry_jumppad:
0x0: {  	(pc) =	sbr.rel $0x88, $3  }
0x1: {  	(tag) =	ssettag $0x0;
	lr =	simm.s32 $0x1  }
0x2: {  	[smem:$0x3F99] =	sst lr;
	_ =	strace $0xD0000000  }
0x3: {  	_ = 	snop  }
0x4: {  	_ = 	snop  }
0x5: {  	_ = 	snop  }
0x6: {  	_ = 	snop  }
0x7: {  	_ = 	snop  }
__scs_overlays_trampoline_lowered:
0x8: {  	[smem:$0x3FA8] =	sst s0  }
0x9: {  	[smem:$0x3FA9] =	sst s1  }
0xa: {  	[smem:$0x3FAA] =	sst s2  }
0xb: {  	[smem:$0x3FAB] =	sst s3  }
0xc: {  	[smem:$0x3FAC] =	sst s4  }
0xd: {  	[smem:$0x3FAD] =	sst s5  }
0xe: {  	[smem:$0x3FAE] =	sst s6  }
0xf: {  	[smem:$0x3FAF] =	sst s7  }
0x10: {  	[smem:$0x3FB0] =	sst s8  }
0x11: {  	[smem:$0x3FB1] =	sst s9;
	s0 =	simm.s32 @!p0 $0x0  }
0x12: {  	s1 =	sld [smem:$0x3F97];
	s0 =	simm.s32 @p0 $0x1  }
0x13: {  	[smem:$0x3FB2] =	sst s0;
	s0 =	simm.s32 @!p1 $0x0  }
0x14: {  	s2 =	sld [smem:$0x3F96];
	s0 =	simm.s32 @p1 $0x1  }
0x15: {  	[smem:$0x3FB3] =	sst s0;
	s0 =	simm.s32 @!p2 $0x0  }
0x16: {  	s3 =	sld [smem:$0x3FDB];
	s0 =	simm.s32 @p2 $0x1  }
0x17: {  	s4 =	simm.s32 $0x1BF5;
	[smem:$0x3FB5] =	sst s0  }
0x18: {  	s0 =	sld [smem:$0x3F98];
	_ =	swait.ge [sflag:s4], $0x0  }
0x19: {  	s7 =	sld [smem:$0x3F99]  }
0x1a: {  	s8 =	sadd.s32 $0xFFFFE003, lr  }
0x1b: {  	s9 =	sadd.s32 $0xFFFFFEF7, lr;
	s5 =	simm.s32 $0xFFFFFFFF;
	p2 =	slt.u32 s8, $0xFFFFF086  }
0x1c: {  	p1 =	slt.u32 s9, $0xF7A;
	s5 =	simm.s32 @!p2 $0x0  }
0x1d: {  	s5 =	simm.s32 @p1 $0x1;
	p0 =	seq.s32 s7, s2  }
0x1e: {  	s7 =	smul.u32 @!p0 $0xF7A, s2;
	p2 =	seq.s32 @!p0 s5, $0x0  }
0x1f: {  	s9 =	smul.u32 $0xF7A, s1;
	s8 =	simm.s32 @!p0 $0x1BF5;
	p2 =	por !p2, p0  }
0x20: {  	[sflag:s8] =	ssyncset.s32 @!p0 $0xFFFFF086;
	s6 =	sadd.s32 @!p0 s3, s7;
	s7 =	simm.s32 @!p0 $0x108  }
0x21: {  	s3 =	sadd.s32 s3, s9;
	s6 =	sadd.s32 @!p0 $0x88, s6;
	s7 =	simm.s32 @p2 $0x1082  }
0x22: {  	[simem:s7], [sflag:s8] =	dma.local @!p0 [hbm:s6], $0xF7A  }
0x23: {  	s9 =	sor.u32 $0xD0000000, s2;
	s6 =	simm.s32 $0x108;
	_ =	swait.ge @!p0 [sflag:s8], $0x0  }
0x24: {  	s3 =	sadd.s32 $0x88, s3;
	s6 =	simm.s32 @!p1 $0x1082;
	[sflag:s4] =	ssyncset.s32 $0xFFFFF086  }
0x25: {  	[simem:s6], [sflag:s4] =	dma.local [hbm:s3], $0xF7A  }
0x26: {  	[smem:$0x3F99] =	sst s1;
	(tag) =	ssettag s2;
	_ =	strace s9  }
0x27: {  	s1 =	sld [smem:$0x3FA9]  }
0x28: {  	s2 =	sld [smem:$0x3FAA]  }
0x29: {  	s4 =	sld [smem:$0x3FAC]  }
0x2a: {  	p0 =	seq.s32 s5, $0x0;
	s5 =	sld [smem:$0x3FAD]  }
0x2b: {  	s6 =	sld [smem:$0x3FAE]  }
0x2c: {  	s7 =	sld [smem:$0x3FAF]  }
0x2d: {  	s3 =	simm.s32 $0x108;
	s8 =	sld [smem:$0x3FB0]  }
0x2e: {  	s3 =	simm.s32 @!p0 $0x1082;
	s9 =	sld [smem:$0x3FB1]  }
0x2f: {  	lr =	sadd.s32 s0, s3;
	s0 =	sld [smem:$0x3FA8]  }
0x30: {  	s3 =	sld [smem:$0x3FAB]  }
0x31: {  	[smem:$0x3FB4] =	sst s10  }
0x32: {  	s10 =	sld [smem:$0x3FB2];
	_ =	sdelay $0x3  }
0x33: {  	p0 =	seq.s32 s10, $0x1;
	s10 =	sld [smem:$0x3FB4];
	_ =	sdelay $0x3  }
0x34: {  	[smem:$0x3FB4] =	sst s10  }
0x35: {  	s10 =	sld [smem:$0x3FB3];
	_ =	sdelay $0x3  }
0x36: {  	p1 =	seq.s32 s10, $0x1;
	s10 =	sld [smem:$0x3FB4];
	_ =	sdelay $0x3  }
0x37: {  	[smem:$0x3FB4] =	sst s10  }
0x38: {  	s10 =	sld [smem:$0x3FB5]  }
0x39: {  	_ = 	snop;
	(pc) =	sbr.ind lr, $3  }
0x3a: {  	_ = 	snop  }
0x3b: {  	_ = 	snop  }
0x3c: {  	p2 =	seq.s32 s10, $0x1;
	s10 =	sld [smem:$0x3FB4]  }
0x3d: {  	_ =	shalt  }
0x3e: {  	_ =	shalt  }
0x3f: {  	_ =	shalt  }
0x40: {  	_ =	shalt  }
0x41: {  	_ =	shalt  }
0x42: {  	_ =	shalt  }
0x43: {  	_ =	shalt  }
0x44: {  	_ =	shalt  }
0x45: {  	_ =	shalt  }
0x46: {  	_ =	shalt  }
0x47: {  	_ =	shalt  }
0x48: {  	_ =	shalt  }
0x49: {  	_ =	shalt  }
0x4a: {  	_ =	shalt  }
0x4b: {  	_ =	shalt  }
0x4c: {  	_ =	shalt  }
0x4d: {  	_ =	shalt  }
0x4e: {  	_ =	shalt  }
0x4f: {  	_ =	shalt  }
0x50: {  	_ =	shalt  }
0x51: {  	_ =	shalt  }
0x52: {  	_ =	shalt  }
0x53: {  	_ =	shalt  }
0x54: {  	_ =	shalt  }
0x55: {  	_ =	shalt  }
0x56: {  	_ =	shalt  }
0x57: {  	_ =	shalt  }
0x58: {  	_ =	shalt  }
0x59: {  	_ =	shalt  }
0x5a: {  	_ =	shalt  }
0x5b: {  	_ =	shalt  }
0x5c: {  	_ =	shalt  }
0x5d: {  	_ =	shalt  }
0x5e: {  	_ =	shalt  }
0x5f: {  	_ =	shalt  }
0x60: {  	_ =	shalt  }
0x61: {  	_ =	shalt  }
0x62: {  	_ =	shalt  }
0x63: {  	_ =	shalt  }
0x64: {  	_ =	shalt  }
0x65: {  	_ =	shalt  }
0x66: {  	_ =	shalt  }
0x67: {  	_ =	shalt  }
0x68: {  	_ =	shalt  }
0x69: {  	_ =	shalt  }
0x6a: {  	_ =	shalt  }
0x6b: {  	_ =	shalt  }
0x6c: {  	_ =	shalt  }
0x6d: {  	_ =	shalt  }
0x6e: {  	_ =	shalt  }
0x6f: {  	_ =	shalt  }
0x70: {  	_ =	shalt  }
0x71: {  	_ =	shalt  }
0x72: {  	_ =	shalt  }
0x73: {  	_ =	shalt  }
0x74: {  	_ =	shalt  }
0x75: {  	_ =	shalt  }
0x76: {  	_ =	shalt  }
0x77: {  	_ =	shalt  }
0x78: {  	_ =	shalt  }
0x79: {  	_ =	shalt  }
0x7a: {  	_ =	shalt  }
0x7b: {  	_ =	shalt  }
0x7c: {  	_ =	shalt  }
0x7d: {  	_ =	shalt  }
0x7e: {  	_ =	shalt  }
0x7f: {  	_ =	shalt  }
0x80: {  	_ =	shalt  }
0x81: {  	_ =	shalt  }
0x82: {  	_ =	shalt  }
0x83: {  	_ =	shalt  }
0x84: {  	_ =	shalt  }
0x85: {  	_ =	shalt  }
0x86: {  	_ =	shalt  }
0x87: {  	_ =	shalt  }
.Lfunc_end0:
.L_simem_size_0:
called_computation_lowered:
.L_overlay_start_0:
0x88: {  	s2 =	sld [smem:$0x3FD9]  }
0x89: {  	s3 =	sld [smem:$0x3FFE];
	_ =	sdelay $0x1  }
0x8a: {  	s1 =	srdreg.scid  }
0x8b: {  	s0 =	sand.u32 $0x1, s1  }
0x8c: {  	s17 =	sshll.u32 s0, $0xA;
	s2 =	sadd.s32 s3, s2  }
0x8d: {  	s2 =	sadd.s32 s2, s17  }
0x8e: {  	[smem:$0x3FC0] =	sst s2  }
0x8f: {  	_ = 	snop  }
0x90: {  	s2 =	sld [smem:$0x3FC9]  }
0x91: {  	s18 =	sld [smem:$0x3FC8];
	(tm) =	ssettm $0x1  }
0x92: {  	s4 =	sld [smem:$0x3FFB];
	_ =	sdelay $0x3  }
0x93: {  	_ =	strace s4  }
0x94: {  	s4 =	sld [smem:$0x3FFC];
	_ =	sdelay $0x3  }
0x95: {  	_ =	strace s4  }
0x96: {  	s4 =	sld [smem:$0x3FFD];
	_ =	sdelay $0x3  }
0x97: {  	_ =	strace s4  }
0x98: {  	_ =	strace $0x8FFFFFFF  }
0x99: {  	s19 =	sld [smem:$0x3FDB];
	_ =	sdelay $0x1  }
0x9a: {  	s5 =	simm.s32 $_scs_section_size  }
0x9b: {  	s6 =	simm.s32 $_size__tile_overlayer_lowered;
	s7 =	simm.s32 $_tile_overlayer_lowered  }
0x9c: {  	s22 =	simm.s32 $0x1BFF;
	s21 =	sshll.u32 s7, $0x1;
	s4 =	sadd.s32 s5, s19  }
0x9d: {  	s8 =	simm.s32 $0x0;
	s20 =	sshll.u32 s6, $0x1;
	s6 =	sadd.s32 s21, s4  }
0x9e: {  	[timem:s8], [sflag:s22] =	dma.local [hbm:s6], s20  }
0x9f: {  	_ =	swait.ge [sflag:s22], s20  }
0xa0: {  	s5 =	ssub.s32 $0x0, s20;
	[sflag:s22] =	ssyncset.done $0x0  }
0xa1: {  	[sflag:s22] =	ssyncadd.s32 s5;
	_ =	sdelay $0x1  }
0xa2: {  	s23 =	simm.s32 $0x1B8B  }
0xa3: {  	_ =	swait.ge [sflag:s23], $0x1  }
0xa4: {  	[sflag:s23] =	ssyncset.done $0x0  }
0xa5: {  	s25 =	simm.s32 $0x1B8E;
	s24 =	sld [smem:$0x3FFE];
	[sflag:s23] =	ssyncadd.s32 $0xFFFFFFFF  }
0xa6: {  	s26 =	simm.s32 $execute0_lowered;
	[smem:$0x3FD2] =	sst s25  }
0xa7: {  	s6 =	sshll.u32 s26, $0x1;
	_ =	strace $0x80000046;
	[dreg:$0x1] =	wrdreg $0xFFFFFFFF  }
0xa8: {  	s28 =	simm.s32 $_size_execute0_lowered;
	s4 =	sadd.s32 s4, s6;
	[dreg:$0x0] =	wrdreg $0x0  }
0xa9: {  	s6 =	sshll.u32 s28, $0x1;
	[dreg:$0x2] =	wrdreg s4  }
0xaa: {  	[dreg:$0x3] =	wrdreg s6  }
0xab: {  	[dreg:$0x4] =	wrdreg $0xC0  }
0xac: {  	_ =	task [dreg:s8], $0x5FFFF  }
0xad: {  	[dreg:$0x1] =	wrdreg $0xFFFFFFFF  }
0xae: {  	[dreg:$0x0] =	wrdreg $0x60  }
0xaf: {  	[dreg:$0x2] =	wrdreg s18  }
0xb0: {  	[dreg:$0x3] =	wrdreg s2  }
0xb1: {  	[dreg:$0x4] =	wrdreg s24  }
0xb2: {  	[dreg:$0x5] =	wrdreg $0x9  }
0xb3: {  	_ =	task.clear_ibuf [dreg:s8], $0x6FFFF;
	_ =	strace $0x90000046  }
0xb4: {  	s29 =	simm.s32 $0x9;
	_ =	strace $0x80000048  }
0xb5: {  	_ =	swait.ge [sflag:s29], $0x1  }
0xb6: {  	[sflag:s29] =	ssyncadd.s32 $0xFFFFFFFF  }
0xb7: {  	_ =	strace $0x90000048  }
0xb8: {  	_ =	sfence  }
0xb9: {  	s30 =	sld [smem:$0x0];
	_ =	sdelay $0x2  }
0xba: {  	s31 =	sshll.u32 s1, $0xD;
	s1 =	sshrl.u32 s1, $0x2  }
0xbb: {  	s3 =	sand.u32 $0x4000, s31;
	s1 =	sadd.s32 s1, s30  }
0xbc: {  	s0 =	sor.u32 s3, s0;
	s1 =	sshll.u32 s1, $0x11  }
0xbd: {  	s0 =	sor.u32 s1, s0  }
0xbe: {  	s0 =	sadd.s32 $0x8F2B, s0  }
0xbf: {  	[sflag:s0] =	ssyncadd.remote.s32 $0x1  }
0xc0: {  	_ =	sfence.sel $0xFFFF  }
0xc1: {  	[dreg:$0x0] =	wrdreg $0xFFFFFFFF;
	(pc) =	sbr.abs _section_cstart, $3  }
0xc2: {  	[dreg:$0x1] =	wrdreg $0xFFFFFFFF  }
0xc3: {  	_ =	task.clear_ibuf [dreg:s8], $0x2FFFF;
	_ =	strace $0x9FFFFFFF  }
0xc4: {  	(tm) =	ssettm $0x7FFFFFFF  }
0xc5: {  	_ =	shalt  }
tec
execute0_lowered:
.L_overlay_start_1:
0x0: {  	(tag) =	ssettag $0x1  }
0x1: {  	s1 =	rddreg [dreg:$0x0];
	s2 =	srdreg.scid  }
0x2: {  	s4 =	rddreg [dreg:$0x1];
	s0 =	stileid.u32  }
0x3: {  	s8 =	rddreg [dreg:$0x2];
	s3 =	simm.s32 $0x0;
	s6 =	sand.u32 $0x1, s2  }
0x4: {  	s5 =	sshll.u32 s0, $0xA;
	s2 =	rddreg [dreg:$0x3];
	s7 =	sshll.u32 s6, $0x9  }
0x5: {  	[smem:$0x7FF] =	sst s3;
	s9 =	sor.u32 s7, s5  }
0x6: {  	_ =	strace $0x80000047;
	s10 =	ssub.s32 $0x2, s6;
	s5 =	sshrl.u32 s9, $0x3  }
0x7: {  	s6 =	simm.s32 $0x200;
	s5 =	sadd.s32 s4, s5;
	s4 =	simm.s32 $0x2  }
0x8: {  	[tilespmem:s3], [sflag:$0x2] =	stream.linear.gather [hbm4b:s5+s3], $0x200, $0x38;
	[tilespmem:$0x10200] =	vst v63  }
0x9: {  	s7 =	simm.s32 $0x1;
	s11 =	sshrl.u32 s10, $0x1;
	_ =	swait.ge [sflag:s4], $0x200  }
0xa: {  	s9 =	sshll.u32 s9, $0x4;
	s31 =	ssub.s32 s10, s11;
	[sflag:s4] =	ssyncset.done $0x0  }
0xb: {  	s8 =	sadd.s32 s9, s8;
	s9 =	smax.u32 s31, $0x1;
	[sflag:s4] =	ssyncadd.s32 $0xFFFFFE00  }
0xc: {  	[tilespmem:s6], [sflag:$0x1] =	stream.indirect.gather [hbm4b:s1+s6], $0x80, s3, s6, $0xb8;
	[tilespmem:$0x10200] =	vst v63  }
0xd: {  	p0 =	sne.s32 s9, $0x1;
	_ =	swait.ge [sflag:s7], $0x10000  }
.Ltmp0:
0xe: {  	[sflag:s7] =	ssyncset.done $0x0;
	(pc) =	sbr.rel @!p0 .LBB2_2-.Ltmp0, $4  }
0xf: {  	s8 =	sadd.s32 $0x1200, s8;
	[sflag:s7] =	ssyncadd.s32 $0xFFFF0000  }
0x10: {  	[hbm4b:s8+s3] =	stream.linear.scatter [tilespmem:s6], [sflag:$0x2], $0x10000, $0x38;
	[tilespmem:$0x10200] =	vst v63  }
0x11: {  	_ =	swait.ge [sflag:s4], $0x10000  }
0x12: {  	s9 =	sadd.s32 $0xFFFFFFFF, s9;
	[sflag:s4] =	ssyncset.done $0x0  }
.LBB2_1:
0x13: {  	p0 =	sne.s32 s9, $0x1;
	s9 =	sadd.s32 $0xFFFFFFFF, s9;
	[sflag:s4] =	ssyncadd.s32 $0xFFFF0000  }
0x14: {  	[tilespmem:s3], [sflag:$0x2] =	stream.linear.gather [hbm4b:s5+s3], $0x200, $0x38;
	[tilespmem:$0x10200] =	vst v63  }
0x15: {  	_ =	swait.ge [sflag:s4], $0x200  }
0x16: {  	[sflag:s4] =	ssyncset.done $0x0  }
0x17: {  	[sflag:s4] =	ssyncadd.s32 $0xFFFFFE00  }
0x18: {  	[tilespmem:s6], [sflag:$0x1] =	stream.indirect.gather [hbm4b:s1+s6], $0x80, s3, s6, $0xb8;
	[tilespmem:$0x10200] =	vst v63  }
0x19: {  	_ =	swait.ge [sflag:s7], $0x10000  }
.Ltmp1:
0x1a: {  	[sflag:s7] =	ssyncset.done $0x0;
	(pc) =	sbr.rel @p0 .LBB2_1-.Ltmp1, $4  }
0x1b: {  	[sflag:s7] =	ssyncadd.s32 $0xFFFF0000  }
0x1c: {  	[hbm4b:s8+s3] =	stream.linear.scatter [tilespmem:s6], [sflag:$0x2], $0x10000, $0x38;
	[tilespmem:$0x10200] =	vst v63  }
0x1d: {  	_ =	swait.ge [sflag:s4], $0x10000  }
0x1e: {  	[sflag:s4] =	ssyncset.done $0x0  }
.LBB2_2:
0x1f: {  	[sflag:s4] =	ssyncadd.s32 $0xFFFF0000  }
0x20: {  	_ =	sfence.sel $0x180000  }
0x21: {  	[bflag:$0x0] =	sbarrier.arrive $0xFFFF  }
0x22: {  	p0 =	sne.s32 s0, $0x0;
	_ =	strace $0x90000047  }
0x23: {  	s0 =	sadd.s32 @!p0 $0x100000, s2;
	[bflag:$0x2] =	sbarrier.arrive $0xFFFF  }
0x24: {  	[sflag:s0] =	ssyncadd.tile.s32 @!p0 $0x1;
	_ =	shalt  }
.Lfunc_end2:
_tile_overlayer_lowered:
.L_overlay_start_2:
0x25: {  	(tag) =	ssettag $0x2  }
0x26: {  	s0 =	rddreg [dreg:$0x0];
	s2 =	stileid.u32  }
0x27: {  	s1 =	rddreg [dreg:$0x1];
	p0 =	sne.s32 s2, $0x0  }
0x28: {  	s3 =	rddreg [dreg:$0x2];
	[bflag:$0x3] =	sbarrier.arrive $0xFFFF;
	s2 =	simm.s32 @!p0 $0x1C02  }
0x29: {  	[timem:s3], [sflag:s2] =	dma.local @!p0 [hbm:s0], s1  }
0x2a: {  	s0 =	simm.s32 @!p0 $0x2  }
0x2b: {  	_ =	swait.ge @!p0 [sflag:s0], s1  }
0x2c: {  	s1 =	ssub.s32 @!p0 $0x0, s1;
	[sflag:s0] =	ssyncset.done @!p0 $0x0  }
0x2d: {  	[sflag:s0] =	ssyncadd.s32 @!p0 s1  }
0x2e: {  	[bflag:$0x3] =	sbarrier.arrive $0xFFFF  }
0x2f: {  	_ =	shalt  }

</sc_bundles>
